<compile_context>
chip_gen: v7x
topology: tpu7x:2x2x1
jax: 0.10.2.dev20260603
libtpu: 0.0.44.dev20260713+nightly
codegen_flags: <defaults>
</compile_context>

<pallas_src>
import functools

import jax
import jax.numpy as jnp
from jax import lax
from jax.experimental import pallas as pl
from jax.experimental.pallas import tpu as pltpu
from jax.experimental.pallas import tpu_sc as plsc

B = 16384
SL = 73
DC, DR, DB = 16, 8, 6
VC, VR, VB = 101, 9, 51

_NC, _NS, _L = 1, 16, 16
NW = _NC * _NS
BPW = B // NW


def _sc_body(ic_hbm, wc_hbm, oc_hbm,
             idxc_v, rc_v, wc_t, wc_s, sem_e, sem_g, sem_o):
    sid = lax.axis_index("s")
    wid = sid * _NC + lax.axis_index("c")
    base = wid * BPW

    i1 = pltpu.async_copy(ic_hbm.at[pl.ds(base, BPW)], idxc_v, sem_e)

    @pl.when(sid == 0)
    def _stage_table():
        pltpu.sync_copy(wc_hbm, wc_t)
        pltpu.sync_copy(wc_t, wc_s)

    plsc.subcore_barrier()
    i1.wait()

    pltpu.async_copy(wc_s.at[idxc_v], rc_v, sem_g).wait()

    pltpu.async_copy(rc_v, oc_hbm.at[pl.ds(base, BPW)], sem_o).wait()


_sc_call = functools.partial(
    pl.kernel,
    mesh=plsc.VectorSubcoreMesh(core_axis_name="c", subcore_axis_name="s",
                                num_cores=_NC),
    compiler_params=pltpu.CompilerParams(use_tc_tiling_on_sc=False),
    out_type=jax.ShapeDtypeStruct((B, DC), jnp.float32),
    scratch_types=[
        pltpu.VMEM((BPW,), jnp.int32),
        pltpu.VMEM((BPW, DC), jnp.float32),
        pltpu.VMEM((VC, DC), jnp.float32),
        pltpu.VMEM_SHARED((VC, DC), jnp.float32),
        pltpu.SemaphoreType.DMA,
        pltpu.SemaphoreType.DMA,
        pltpu.SemaphoreType.DMA,
    ],
)(_sc_body)



_RB = 2048


def _tc_body(x_ref, wr_ref, wb_ref, ic_ref, os_ref, orr_ref, ob_ref):
    blk = x_ref[...]
    ic_ref[...] = blk[:, 0].astype(jnp.int32)
    os_ref[...] = blk[:, 3:]
    role = blk[:, 1:2].astype(jnp.int32)
    oh_r = (role == lax.broadcasted_iota(jnp.int32, (_RB, VR), 1))
    orr_ref[...] = jnp.dot(oh_r.astype(jnp.float32), wr_ref[...],
                           preferred_element_type=jnp.float32)
    buff = blk[:, 2:3].astype(jnp.int32)
    oh_b = (buff == lax.broadcasted_iota(jnp.int32, (_RB, VB), 1))
    ob_ref[...] = jnp.dot(oh_b.astype(jnp.float32), wb_ref[...],
                          preferred_element_type=jnp.float32)


_tc_call = pl.pallas_call(
    _tc_body,
    grid=(B // _RB,),
    in_specs=[
        pl.BlockSpec((_RB, SL), lambda i: (i, 0)),
        pl.BlockSpec((VR, DR), lambda i: (0, 0)),
        pl.BlockSpec((VB, DB), lambda i: (0, 0)),
    ],
    out_specs=(
        pl.BlockSpec((_RB,), lambda i: (i,)),
        pl.BlockSpec((_RB, SL - 3), lambda i: (i, 0)),
        pl.BlockSpec((_RB, DR), lambda i: (i, 0)),
        pl.BlockSpec((_RB, DB), lambda i: (i, 0)),
    ),
    out_shape=(
        jax.ShapeDtypeStruct((B,), jnp.int32),
        jax.ShapeDtypeStruct((B, SL - 3), jnp.float32),
        jax.ShapeDtypeStruct((B, DR), jnp.float32),
        jax.ShapeDtypeStruct((B, DB), jnp.float32),
    ),
)


def kernel(x, W_char, W_role, W_buff):
    ic, os, orr, ob = _tc_call(x, W_role, W_buff)
    oc = _sc_call(ic, W_char)
    return oc, orr, ob, os

# --- scband reference (transcript-rebuilt; emitter-appended) ---
"""Pipeline reference for scband-agent-embedding-47433618817577 (READ-ONLY COPY).

The authoritative reference and input builder live on the scoring server;
editing this copy changes nothing except your own understanding.
"""

import jax, jax.numpy as jnp
import numpy as np

B = 16384
STATE_LEN = 73

def setup_inputs(seed: int = 0) -> dict:
    key = jax.random.key(seed)
    k1, k2, k3, k4, k5, k6, k7 = jax.random.split(key, 7)
    # x per input_specs: float32 [B, 73], fill=rand. First 3 columns must be
    # valid integer ids for the embedding tables, so overwrite them with
    # in-range random ids cast to float (faithful to how the torch module is fed).
    x = jax.random.uniform(k1, (B, STATE_LEN), dtype=jnp.float32)
    idx_char = jax.random.randint(k2, (B,), 0, 101)
    idx_role = jax.random.randint(k3, (B,), 0, 9)
    idx_buff = jax.random.randint(k4, (B,), 0, 51)
    x = x.at[:, 0].set(idx_char.astype(jnp.float32))
    x = x.at[:, 1].set(idx_role.astype(jnp.float32))
    x = x.at[:, 2].set(idx_buff.astype(jnp.float32))
    # Learned embedding tables: nn.Embedding(num_embeddings+1, dim)
    W_char = jax.random.normal(k5, (101, 16), dtype=jnp.float32) * 0.02
    W_role = jax.random.normal(k6, (9, 8), dtype=jnp.float32) * 0.02
    W_buff = jax.random.normal(k7, (51, 6), dtype=jnp.float32) * 0.02
    return {"x": x, "W_char": W_char, "W_role": W_role, "W_buff": W_buff}

def reference(x, W_char, W_role, W_buff):
    idx_char = x[:, 0].astype(jnp.int32)
    idx_role = x[:, 1].astype(jnp.int32)
    idx_buff = x[:, 2].astype(jnp.int32)
    my_character_type = jnp.take(W_char, idx_char, axis=0)
    my_role_type = jnp.take(W_role, idx_role, axis=0)
    my_buff_type = jnp.take(W_buff, idx_buff, axis=0)
    my_states = x[:, 3:].astype(jnp.float32)
    return (my_character_type, my_role_type, my_buff_type, my_states)

if __name__ == "__main__":
    import jax
    _d = setup_inputs()
    print(jax.jit(kernel)(*tuple(_d.values())))

</pallas_src>

<mosaic_0001>
#map = affine_map<(d0, d1) -> (0)>
#map1 = affine_map<(d0, d1) -> (0, 0)>
module attributes {stable_mosaic.version = 14 : i64} {
  func.func @_sc_body(%arg0: i32, %arg1: i32, %arg2: memref<16384xi32, #tpu.memory_space<hbm>>, %arg3: memref<101x16xf32, #tpu.memory_space<hbm>>, %arg4: memref<16384x16xf32, #tpu.memory_space<hbm>>, %arg5: memref<1024xi32, #tpu.memory_space<vmem>>, %arg6: memref<1024x16xf32, #tpu.memory_space<vmem>>, %arg7: memref<101x16xf32, #tpu.memory_space<vmem>>, %arg8: memref<101x16xf32, #tpu.memory_space<vmem_shared>>, %arg9: memref<!tpu.dma_semaphore, #tpu.memory_space<semaphore_mem>>, %arg10: memref<!tpu.dma_semaphore, #tpu.memory_space<semaphore_mem>>, %arg11: memref<!tpu.dma_semaphore, #tpu.memory_space<semaphore_mem>>) attributes {dimension_semantics = [#tpu.dimension_semantics<core_parallel>, #tpu.dimension_semantics<subcore_parallel>], iteration_bounds = array<i64: 1, 16>, scalar_prefetch = 0 : i64, scratch_operands = 7 : i64, tpu.core_type = #tpu.core_type<sc_vector_subcore>, window_params = [{transform_indices = #map}, {transform_indices = #map1}, {transform_indices = #map1}]} {
    %mul3A = arith.constant 1 : i32
    %mul3A_0 = arith.muli %arg1, %mul3A : i32
    %add3A = arith.addi %mul3A_0, %arg0 : i32
    %mul3A_1 = arith.constant 1024 : i32
    %mul3A_2 = arith.muli %add3A, %mul3A_1 : i32
    %dma_start3A = tpu.memref_slice %arg2[%mul3A_2] : memref<16384xi32, #tpu.memory_space<hbm>> -> memref<1024xi32, #tpu.memory_space<hbm>>
    %dma_start3A_3 = tpu.memref_slice %arg2[%mul3A_2] : memref<16384xi32, #tpu.memory_space<hbm>> -> memref<1024xi32, #tpu.memory_space<hbm>>
    tpu.enqueue_dma source(%dma_start3A_3 : memref<1024xi32, #tpu.memory_space<hbm>>) target(%arg5 : memref<1024xi32, #tpu.memory_space<vmem>>) target_semaphore(%arg9 : memref<!tpu.dma_semaphore, #tpu.memory_space<semaphore_mem>>)
    %eq3A = arith.constant 0 : i32
    %eq3A_4 = arith.cmpi eq, %arg1, %eq3A : i32
    %convert_element_type3A = arith.extui %eq3A_4 : i1 to i32
    %cond3A = arith.constant 0 : i32
    %cond3A_5 = arith.cmpi ne, %convert_element_type3A, %cond3A : i32
    scf.if %cond3A_5 {
      "tpu.region"() ({
        %run_scoped3A = tpu.sem_alloc : memref<!tpu.dma_semaphore, #tpu.memory_space<semaphore_mem>>
        tpu.enqueue_dma source(%arg3 : memref<101x16xf32, #tpu.memory_space<hbm>>) target(%arg7 : memref<101x16xf32, #tpu.memory_space<vmem>>) target_semaphore(%run_scoped3A : memref<!tpu.dma_semaphore, #tpu.memory_space<semaphore_mem>>)
        tpu.wait_dma2 semaphore(%run_scoped3A : memref<!tpu.dma_semaphore, #tpu.memory_space<semaphore_mem>>) src(%arg3 : memref<101x16xf32, #tpu.memory_space<hbm>>) dst(%arg7 : memref<101x16xf32, #tpu.memory_space<vmem>>)
        tpu.yield
      }) : () -> ()
      "tpu.region"() ({
        %run_scoped3A = tpu.sem_alloc : memref<!tpu.dma_semaphore, #tpu.memory_space<semaphore_mem>>
        tpu.enqueue_dma source(%arg7 : memref<101x16xf32, #tpu.memory_space<vmem>>) target(%arg8 : memref<101x16xf32, #tpu.memory_space<vmem_shared>>) target_semaphore(%run_scoped3A : memref<!tpu.dma_semaphore, #tpu.memory_space<semaphore_mem>>)
        tpu.wait_dma2 semaphore(%run_scoped3A : memref<!tpu.dma_semaphore, #tpu.memory_space<semaphore_mem>>) src(%arg7 : memref<101x16xf32, #tpu.memory_space<vmem>>) dst(%arg8 : memref<101x16xf32, #tpu.memory_space<vmem_shared>>)
        tpu.yield
      }) : () -> ()
    } else {
    }
    %barrier3A = arith.constant 0 : index
    tpu.barrier barrier_id(%barrier3A)
    %dma_wait3A = tpu.memref_slice %arg2[%mul3A_2] : memref<16384xi32, #tpu.memory_space<hbm>> -> memref<1024xi32, #tpu.memory_space<hbm>>
    %dma_wait3A_6 = tpu.memref_slice %arg2[%mul3A_2] : memref<16384xi32, #tpu.memory_space<hbm>> -> memref<1024xi32, #tpu.memory_space<hbm>>
    tpu.wait_dma2 semaphore(%arg9 : memref<!tpu.dma_semaphore, #tpu.memory_space<semaphore_mem>>) src(%dma_wait3A_6 : memref<1024xi32, #tpu.memory_space<hbm>>) dst(%arg5 : memref<1024xi32, #tpu.memory_space<vmem>>)
    %dma_start3A_7 = arith.constant 0 : i32
    %dma_start3A_8 = arith.constant 0 : i32
    %dma_start3A_9 = tpu.memref_slice %arg8[%dma_start3A_7, %dma_start3A_8] : memref<101x16xf32, #tpu.memory_space<vmem_shared>> -> memref<101x16xf32, #tpu.memory_space<vmem_shared>>
    tpu.enqueue_indirect_dma source(%dma_start3A_9 : memref<101x16xf32, #tpu.memory_space<vmem_shared>>) target(%arg6 : memref<1024x16xf32, #tpu.memory_space<vmem>>) offsets(%arg5 : memref<1024xi32, #tpu.memory_space<vmem>>) semaphore(%arg10 : memref<!tpu.dma_semaphore, #tpu.memory_space<semaphore_mem>>)
    %dma_wait3A_10 = arith.constant 0 : i32
    %dma_wait3A_11 = arith.constant 0 : i32
    %dma_wait3A_12 = tpu.memref_slice %arg8[%dma_wait3A_10, %dma_wait3A_11] : memref<101x16xf32, #tpu.memory_space<vmem_shared>> -> memref<101x16xf32, #tpu.memory_space<vmem_shared>>
    tpu.wait_indirect_dma semaphore(%arg10 : memref<!tpu.dma_semaphore, #tpu.memory_space<semaphore_mem>>) src(%dma_wait3A_12 : memref<101x16xf32, #tpu.memory_space<vmem_shared>>) dst(%arg6 : memref<1024x16xf32, #tpu.memory_space<vmem>>)
    %dma_start3A_13 = arith.constant 0 : i32
    %dma_start3A_14 = tpu.memref_slice %arg4[%mul3A_2, %dma_start3A_13] : memref<16384x16xf32, #tpu.memory_space<hbm>> -> memref<1024x16xf32, #tpu.memory_space<hbm>>
    %dma_start3A_15 = arith.constant 0 : i32
    %dma_start3A_16 = tpu.memref_slice %arg4[%mul3A_2, %dma_start3A_15] : memref<16384x16xf32, #tpu.memory_space<hbm>> -> memref<1024x16xf32, #tpu.memory_space<hbm>>
    tpu.enqueue_dma source(%arg6 : memref<1024x16xf32, #tpu.memory_space<vmem>>) target(%dma_start3A_16 : memref<1024x16xf32, #tpu.memory_space<hbm>>) target_semaphore(%arg11 : memref<!tpu.dma_semaphore, #tpu.memory_space<semaphore_mem>>)
    %dma_wait3A_17 = arith.constant 0 : i32
    %dma_wait3A_18 = tpu.memref_slice %arg4[%mul3A_2, %dma_wait3A_17] : memref<16384x16xf32, #tpu.memory_space<hbm>> -> memref<1024x16xf32, #tpu.memory_space<hbm>>
    %dma_wait3A_19 = arith.constant 0 : i32
    %dma_wait3A_20 = tpu.memref_slice %arg4[%mul3A_2, %dma_wait3A_19] : memref<16384x16xf32, #tpu.memory_space<hbm>> -> memref<1024x16xf32, #tpu.memory_space<hbm>>
    tpu.wait_dma2 semaphore(%arg11 : memref<!tpu.dma_semaphore, #tpu.memory_space<semaphore_mem>>) src(%arg6 : memref<1024x16xf32, #tpu.memory_space<vmem>>) dst(%dma_wait3A_20 : memref<1024x16xf32, #tpu.memory_space<hbm>>)
    return
  }
}

module attributes {stable_mosaic.version = 14 : i64} {
  func.func @_tc_body(%arg0: i32, %arg1: memref<2048x73xf32, #tpu.memory_space<vmem>>, %arg2: memref<9x8xf32, #tpu.memory_space<vmem>>, %arg3: memref<51x6xf32, #tpu.memory_space<vmem>>, %arg4: memref<2048xi32, #tpu.memory_space<vmem>>, %arg5: memref<2048x70xf32, #tpu.memory_space<vmem>>, %arg6: memref<2048x8xf32, #tpu.memory_space<vmem>>, %arg7: memref<2048x6xf32, #tpu.memory_space<vmem>>) attributes {dimension_semantics = [#tpu.dimension_semantics<arbitrary>], iteration_bounds = array<i64: 8>, scalar_prefetch = 0 : i64, scratch_operands = 0 : i64, tpu.core_type = #tpu.core_type<tc>, window_params = [{transform_indices = @transform_0, window_bounds = array<i64: 2048, 73>}, {pipeline_mode = #tpu.pipeline_mode<synchronous>, transform_indices = @transform_1, window_bounds = array<i64: 9, 8>}, {pipeline_mode = #tpu.pipeline_mode<synchronous>, transform_indices = @transform_2, window_bounds = array<i64: 51, 6>}, {transform_indices = @transform_3, window_bounds = array<i64: 2048>}, {transform_indices = @transform_4, window_bounds = array<i64: 2048, 70>}, {transform_indices = @transform_5, window_bounds = array<i64: 2048, 8>}, {transform_indices = @transform_6, window_bounds = array<i64: 2048, 6>}]} {
    %get3A = arith.constant 0 : index
    %get3A_0 = arith.constant 0 : index
    %get3A_1 = vector.load %arg1[%get3A, %get3A_0] : memref<2048x73xf32, #tpu.memory_space<vmem>>, vector<2048x73xf32>
    %slice3A = vector.extract_strided_slice %get3A_1 {offsets = [0, 0], sizes = [2048, 1], strides = [1, 1]} : vector<2048x73xf32> to vector<2048x1xf32>
    %squeeze3A = vector.shape_cast %slice3A : vector<2048x1xf32> to vector<2048xf32>
    %convert_element_type3A = arith.fptosi %squeeze3A : vector<2048xf32> to vector<2048xi32>
    %swap3A = arith.constant 0 : index
    %swap3A_2 = vector.load %arg4[%swap3A] : memref<2048xi32, #tpu.memory_space<vmem>>, vector<2048xi32>
    tpu.vector_store %arg4[%swap3A], %convert_element_type3A {strides = array<i32>} : memref<2048xi32, #tpu.memory_space<vmem>>, vector<2048xi32>,
    %slice3A_3 = vector.extract_strided_slice %get3A_1 {offsets = [0, 3], sizes = [2048, 70], strides = [1, 1]} : vector<2048x73xf32> to vector<2048x70xf32>
    %swap3A_4 = arith.constant 0 : index
    %swap3A_5 = arith.constant 0 : index
    %swap3A_6 = vector.load %arg5[%swap3A_4, %swap3A_5] : memref<2048x70xf32, #tpu.memory_space<vmem>>, vector<2048x70xf32>
    tpu.vector_store %arg5[%swap3A_4, %swap3A_5], %slice3A_3 {strides = array<i32>} : memref<2048x70xf32, #tpu.memory_space<vmem>>, vector<2048x70xf32>,
    %slice3A_7 = vector.extract_strided_slice %get3A_1 {offsets = [0, 1], sizes = [2048, 1], strides = [1, 1]} : vector<2048x73xf32> to vector<2048x1xf32>
    %convert_element_type3A_8 = arith.fptosi %slice3A_7 : vector<2048x1xf32> to vector<2048x1xi32>
    %iota3A = tpu.iota {dimensions = array<i32: 1>} : vector<2048x9xi32>
    %eq3A = vector.broadcast %convert_element_type3A_8 : vector<2048x1xi32> to vector<2048x9xi32>
    %eq3A_9 = arith.cmpi eq, %eq3A, %iota3A : vector<2048x9xi32>
    %convert_element_type3A_10 = arith.extui %eq3A_9 : vector<2048x9xi1> to vector<2048x9xi32>
    %convert_element_type3A_11 = arith.sitofp %convert_element_type3A_10 : vector<2048x9xi32> to vector<2048x9xf32>
    %get3A_12 = arith.constant 0 : index
    %get3A_13 = arith.constant 0 : index
    %get3A_14 = vector.load %arg2[%get3A_12, %get3A_13] : memref<9x8xf32, #tpu.memory_space<vmem>>, vector<9x8xf32>
    %dot_general3A = arith.constant dense<0.000000e+00> : vector<2048x8xf32>
    %dot_general3A_15 = tpu.matmul %convert_element_type3A_11, %get3A_14, %dot_general3A {dimension_numbers = #tpu.dot_dimension_numbers<[1], [0], [0], [1], [0, 0, 1, 1], [], []>, transpose_lhs_hint = false} : vector<2048x9xf32>, vector<9x8xf32>, vector<2048x8xf32> -> vector<2048x8xf32>
    %swap3A_16 = arith.constant 0 : index
    %swap3A_17 = arith.constant 0 : index
    %swap3A_18 = vector.load %arg6[%swap3A_16, %swap3A_17] : memref<2048x8xf32, #tpu.memory_space<vmem>>, vector<2048x8xf32>
    tpu.vector_store %arg6[%swap3A_16, %swap3A_17], %dot_general3A_15 {strides = array<i32>} : memref<2048x8xf32, #tpu.memory_space<vmem>>, vector<2048x8xf32>,
    %slice3A_19 = vector.extract_strided_slice %get3A_1 {offsets = [0, 2], sizes = [2048, 1], strides = [1, 1]} : vector<2048x73xf32> to vector<2048x1xf32>
    %convert_element_type3A_20 = arith.fptosi %slice3A_19 : vector<2048x1xf32> to vector<2048x1xi32>
    %iota3A_21 = tpu.iota {dimensions = array<i32: 1>} : vector<2048x51xi32>
    %eq3A_22 = vector.broadcast %convert_element_type3A_20 : vector<2048x1xi32> to vector<2048x51xi32>
    %eq3A_23 = arith.cmpi eq, %eq3A_22, %iota3A_21 : vector<2048x51xi32>
    %convert_element_type3A_24 = arith.extui %eq3A_23 : vector<2048x51xi1> to vector<2048x51xi32>
    %convert_element_type3A_25 = arith.sitofp %convert_element_type3A_24 : vector<2048x51xi32> to vector<2048x51xf32>
    %get3A_26 = arith.constant 0 : index
    %get3A_27 = arith.constant 0 : index
    %get3A_28 = vector.load %arg3[%get3A_26, %get3A_27] : memref<51x6xf32, #tpu.memory_space<vmem>>, vector<51x6xf32>
    %dot_general3A_29 = arith.constant dense<0.000000e+00> : vector<2048x6xf32>
    %dot_general3A_30 = tpu.matmul %convert_element_type3A_25, %get3A_28, %dot_general3A_29 {dimension_numbers = #tpu.dot_dimension_numbers<[1], [0], [0], [1], [0, 0, 1, 1], [], []>, transpose_lhs_hint = false} : vector<2048x51xf32>, vector<51x6xf32>, vector<2048x6xf32> -> vector<2048x6xf32>
    %swap3A_31 = arith.constant 0 : index
    %swap3A_32 = arith.constant 0 : index
    %swap3A_33 = vector.load %arg7[%swap3A_31, %swap3A_32] : memref<2048x6xf32, #tpu.memory_space<vmem>>, vector<2048x6xf32>
    tpu.vector_store %arg7[%swap3A_31, %swap3A_32], %dot_general3A_30 {strides = array<i32>} : memref<2048x6xf32, #tpu.memory_space<vmem>>, vector<2048x6xf32>,
    return
  }
  func.func @transform_0(%arg0: i32) -> (i32, i32) {
    %c0_i32 = arith.constant 0 : i32
    %c0_i32_0 = arith.constant 0 : i32
    return %arg0, %c0_i32 : i32, i32
  }
  func.func @transform_1(%arg0: i32) -> (i32, i32) {
    %c0_i32 = arith.constant 0 : i32
    %c0_i32_0 = arith.constant 0 : i32
    %c0_i32_1 = arith.constant 0 : i32
    return %c0_i32, %c0_i32_0 : i32, i32
  }
  func.func @transform_2(%arg0: i32) -> (i32, i32) {
    %c0_i32 = arith.constant 0 : i32
    %c0_i32_0 = arith.constant 0 : i32
    %c0_i32_1 = arith.constant 0 : i32
    return %c0_i32, %c0_i32_0 : i32, i32
  }
  func.func @transform_3(%arg0: i32) -> i32 {
    %c0_i32 = arith.constant 0 : i32
    return %arg0 : i32
  }
  func.func @transform_4(%arg0: i32) -> (i32, i32) {
    %c0_i32 = arith.constant 0 : i32
    %c0_i32_0 = arith.constant 0 : i32
    return %arg0, %c0_i32 : i32, i32
  }
  func.func @transform_5(%arg0: i32) -> (i32, i32) {
    %c0_i32 = arith.constant 0 : i32
    %c0_i32_0 = arith.constant 0 : i32
    return %arg0, %c0_i32 : i32, i32
  }
  func.func @transform_6(%arg0: i32) -> (i32, i32) {
    %c0_i32 = arith.constant 0 : i32
    %c0_i32_0 = arith.constant 0 : i32
    return %arg0, %c0_i32 : i32, i32
  }
}

</mosaic_0001>

<sc_bundles>
// kernel: kernel.4.cloned.1.call-start
scs
__scs_entry_jumppad:
0x0: {  	(pc) =	sbr.rel $0x88, $3  }
0x1: {  	(tag) =	ssettag $0x0;
	lr =	simm.s32 $0x1  }
0x2: {  	[smem:$0x3F9D] =	sst lr;
	_ =	strace $0xD0000000  }
0x3: {  	_ = 	snop  }
0x4: {  	_ = 	snop  }
0x5: {  	_ = 	snop  }
0x6: {  	_ = 	snop  }
0x7: {  	_ = 	snop  }
__scs_overlays_trampoline_lowered:
0x8: {  	[smem:$0x3FAC] =	sst s0  }
0x9: {  	[smem:$0x3FAD] =	sst s1  }
0xa: {  	[smem:$0x3FAE] =	sst s2  }
0xb: {  	[smem:$0x3FAF] =	sst s3  }
0xc: {  	[smem:$0x3FB0] =	sst s4  }
0xd: {  	[smem:$0x3FB1] =	sst s5  }
0xe: {  	[smem:$0x3FB2] =	sst s6  }
0xf: {  	[smem:$0x3FB3] =	sst s7  }
0x10: {  	[smem:$0x3FB4] =	sst s8  }
0x11: {  	[smem:$0x3FB5] =	sst s9;
	s0 =	simm.s32 @!p0 $0x0  }
0x12: {  	s1 =	sld [smem:$0x3F9B];
	s0 =	simm.s32 @p0 $0x1  }
0x13: {  	[smem:$0x3FB6] =	sst s0;
	s0 =	simm.s32 @!p1 $0x0  }
0x14: {  	s2 =	sld [smem:$0x3F9A];
	s0 =	simm.s32 @p1 $0x1  }
0x15: {  	[smem:$0x3FB7] =	sst s0;
	s0 =	simm.s32 @!p2 $0x0  }
0x16: {  	s3 =	sld [smem:$0x3FDB];
	s0 =	simm.s32 @p2 $0x1  }
0x17: {  	s4 =	simm.s32 $0x1BF5;
	[smem:$0x3FB9] =	sst s0  }
0x18: {  	s0 =	sld [smem:$0x3F9C];
	_ =	swait.ge [sflag:s4], $0x0  }
0x19: {  	s7 =	sld [smem:$0x3F9D]  }
0x1a: {  	s8 =	sadd.s32 $0xFFFFE003, lr  }
0x1b: {  	s9 =	sadd.s32 $0xFFFFFEF7, lr;
	s5 =	simm.s32 $0xFFFFFFFF;
	p2 =	slt.u32 s8, $0xFFFFF086  }
0x1c: {  	p1 =	slt.u32 s9, $0xF7A;
	s5 =	simm.s32 @!p2 $0x0  }
0x1d: {  	s5 =	simm.s32 @p1 $0x1;
	p0 =	seq.s32 s7, s2  }
0x1e: {  	s7 =	smul.u32 @!p0 $0xF7A, s2;
	p2 =	seq.s32 @!p0 s5, $0x0  }
0x1f: {  	s9 =	smul.u32 $0xF7A, s1;
	s8 =	simm.s32 @!p0 $0x1BF5;
	p2 =	por !p2, p0  }
0x20: {  	[sflag:s8] =	ssyncset.s32 @!p0 $0xFFFFF086;
	s6 =	sadd.s32 @!p0 s3, s7;
	s7 =	simm.s32 @!p0 $0x108  }
0x21: {  	s3 =	sadd.s32 s3, s9;
	s6 =	sadd.s32 @!p0 $0x88, s6;
	s7 =	simm.s32 @p2 $0x1082  }
0x22: {  	[simem:s7], [sflag:s8] =	dma.local @!p0 [hbm:s6], $0xF7A  }
0x23: {  	s9 =	sor.u32 $0xD0000000, s2;
	s6 =	simm.s32 $0x108;
	_ =	swait.ge @!p0 [sflag:s8], $0x0  }
0x24: {  	s3 =	sadd.s32 $0x88, s3;
	s6 =	simm.s32 @!p1 $0x1082;
	[sflag:s4] =	ssyncset.s32 $0xFFFFF086  }
0x25: {  	[simem:s6], [sflag:s4] =	dma.local [hbm:s3], $0xF7A  }
0x26: {  	[smem:$0x3F9D] =	sst s1;
	(tag) =	ssettag s2;
	_ =	strace s9  }
0x27: {  	s1 =	sld [smem:$0x3FAD]  }
0x28: {  	s2 =	sld [smem:$0x3FAE]  }
0x29: {  	s4 =	sld [smem:$0x3FB0]  }
0x2a: {  	p0 =	seq.s32 s5, $0x0;
	s5 =	sld [smem:$0x3FB1]  }
0x2b: {  	s6 =	sld [smem:$0x3FB2]  }
0x2c: {  	s7 =	sld [smem:$0x3FB3]  }
0x2d: {  	s3 =	simm.s32 $0x108;
	s8 =	sld [smem:$0x3FB4]  }
0x2e: {  	s3 =	simm.s32 @!p0 $0x1082;
	s9 =	sld [smem:$0x3FB5]  }
0x2f: {  	lr =	sadd.s32 s0, s3;
	s0 =	sld [smem:$0x3FAC]  }
0x30: {  	s3 =	sld [smem:$0x3FAF]  }
0x31: {  	[smem:$0x3FB8] =	sst s10  }
0x32: {  	s10 =	sld [smem:$0x3FB6];
	_ =	sdelay $0x3  }
0x33: {  	p0 =	seq.s32 s10, $0x1;
	s10 =	sld [smem:$0x3FB8];
	_ =	sdelay $0x3  }
0x34: {  	[smem:$0x3FB8] =	sst s10  }
0x35: {  	s10 =	sld [smem:$0x3FB7];
	_ =	sdelay $0x3  }
0x36: {  	p1 =	seq.s32 s10, $0x1;
	s10 =	sld [smem:$0x3FB8];
	_ =	sdelay $0x3  }
0x37: {  	[smem:$0x3FB8] =	sst s10  }
0x38: {  	s10 =	sld [smem:$0x3FB9]  }
0x39: {  	_ = 	snop;
	(pc) =	sbr.ind lr, $3  }
0x3a: {  	_ = 	snop  }
0x3b: {  	_ = 	snop  }
0x3c: {  	p2 =	seq.s32 s10, $0x1;
	s10 =	sld [smem:$0x3FB8]  }
0x3d: {  	_ =	shalt  }
0x3e: {  	_ =	shalt  }
0x3f: {  	_ =	shalt  }
0x40: {  	_ =	shalt  }
0x41: {  	_ =	shalt  }
0x42: {  	_ =	shalt  }
0x43: {  	_ =	shalt  }
0x44: {  	_ =	shalt  }
0x45: {  	_ =	shalt  }
0x46: {  	_ =	shalt  }
0x47: {  	_ =	shalt  }
0x48: {  	_ =	shalt  }
0x49: {  	_ =	shalt  }
0x4a: {  	_ =	shalt  }
0x4b: {  	_ =	shalt  }
0x4c: {  	_ =	shalt  }
0x4d: {  	_ =	shalt  }
0x4e: {  	_ =	shalt  }
0x4f: {  	_ =	shalt  }
0x50: {  	_ =	shalt  }
0x51: {  	_ =	shalt  }
0x52: {  	_ =	shalt  }
0x53: {  	_ =	shalt  }
0x54: {  	_ =	shalt  }
0x55: {  	_ =	shalt  }
0x56: {  	_ =	shalt  }
0x57: {  	_ =	shalt  }
0x58: {  	_ =	shalt  }
0x59: {  	_ =	shalt  }
0x5a: {  	_ =	shalt  }
0x5b: {  	_ =	shalt  }
0x5c: {  	_ =	shalt  }
0x5d: {  	_ =	shalt  }
0x5e: {  	_ =	shalt  }
0x5f: {  	_ =	shalt  }
0x60: {  	_ =	shalt  }
0x61: {  	_ =	shalt  }
0x62: {  	_ =	shalt  }
0x63: {  	_ =	shalt  }
0x64: {  	_ =	shalt  }
0x65: {  	_ =	shalt  }
0x66: {  	_ =	shalt  }
0x67: {  	_ =	shalt  }
0x68: {  	_ =	shalt  }
0x69: {  	_ =	shalt  }
0x6a: {  	_ =	shalt  }
0x6b: {  	_ =	shalt  }
0x6c: {  	_ =	shalt  }
0x6d: {  	_ =	shalt  }
0x6e: {  	_ =	shalt  }
0x6f: {  	_ =	shalt  }
0x70: {  	_ =	shalt  }
0x71: {  	_ =	shalt  }
0x72: {  	_ =	shalt  }
0x73: {  	_ =	shalt  }
0x74: {  	_ =	shalt  }
0x75: {  	_ =	shalt  }
0x76: {  	_ =	shalt  }
0x77: {  	_ =	shalt  }
0x78: {  	_ =	shalt  }
0x79: {  	_ =	shalt  }
0x7a: {  	_ =	shalt  }
0x7b: {  	_ =	shalt  }
0x7c: {  	_ =	shalt  }
0x7d: {  	_ =	shalt  }
0x7e: {  	_ =	shalt  }
0x7f: {  	_ =	shalt  }
0x80: {  	_ =	shalt  }
0x81: {  	_ =	shalt  }
0x82: {  	_ =	shalt  }
0x83: {  	_ =	shalt  }
0x84: {  	_ =	shalt  }
0x85: {  	_ =	shalt  }
0x86: {  	_ =	shalt  }
0x87: {  	_ =	shalt  }
.Lfunc_end0:
.L_simem_size_0:
called_computation_lowered:
.L_overlay_start_0:
0x88: {  	s0 =	sld [smem:$0x3FD9]  }
0x89: {  	s1 =	sld [smem:$0x3FFE];
	_ =	sdelay $0x3  }
0x8a: {  	s0 =	sadd.s32 s1, s0  }
0x8b: {  	[smem:$0x3FC4] =	sst s0  }
0x8c: {  	_ = 	snop  }
0x8d: {  	s0 =	sld [smem:$0x3FD0];
	_ =	sdelay $0x2  }
0x8e: {  	s13 =	simm.s32 $0xA;
	s2 =	simm.s32 $0x10  }
0x8f: {  	[smem:s2], [sflag:s13] =	dma.local [hbm:s0], $0x1  }
0x90: {  	_ =	swait.eq [sflag:s13], $0x1  }
0x91: {  	[sflag:s13] =	ssyncset.done $0x0  }
0x92: {  	[sflag:s13] =	ssyncadd.s32 $0xFFFFFFFF  }
0x93: {  	s14 =	sld [smem:$0x10];
	(tm) =	ssettm $0x1  }
0x94: {  	s15 =	sld [smem:$0x3FFB];
	_ =	sdelay $0x3  }
0x95: {  	_ =	strace s15  }
0x96: {  	s1 =	sld [smem:$0x3FFC];
	_ =	sdelay $0x3  }
0x97: {  	_ =	strace s1  }
0x98: {  	s1 =	sld [smem:$0x3FFD];
	_ =	sdelay $0x3  }
0x99: {  	_ =	strace s1  }
0x9a: {  	_ =	strace $0x8FFFFFFF  }
0x9b: {  	s16 =	sld [smem:$0x3FDB];
	_ =	sdelay $0x1  }
0x9c: {  	s17 =	simm.s32 $_scs_section_size  }
0x9d: {  	s3 =	simm.s32 $_size__tile_overlayer_lowered;
	s4 =	simm.s32 $_tile_overlayer_lowered  }
0x9e: {  	s20 =	simm.s32 $0x1BFF;
	s19 =	sshll.u32 s4, $0x1;
	s1 =	sadd.s32 s17, s16  }
0x9f: {  	s5 =	simm.s32 $0x0;
	s18 =	sshll.u32 s3, $0x1;
	s3 =	sadd.s32 s19, s1  }
0xa0: {  	[timem:s5], [sflag:s20] =	dma.local [hbm:s3], s18  }
0xa1: {  	_ =	swait.ge [sflag:s20], s18  }
0xa2: {  	s2 =	ssub.s32 $0x0, s18;
	[sflag:s20] =	ssyncset.done $0x0  }
0xa3: {  	[sflag:s20] =	ssyncadd.s32 s2;
	_ =	sdelay $0x1  }
0xa4: {  	s21 =	simm.s32 $0x1B8B  }
0xa5: {  	_ =	swait.ge [sflag:s21], $0x1  }
0xa6: {  	[sflag:s21] =	ssyncset.done $0x0  }
0xa7: {  	s23 =	simm.s32 $0x1B8E;
	s22 =	sld [smem:$0x3FFE];
	[sflag:s21] =	ssyncadd.s32 $0xFFFFFFFF  }
0xa8: {  	s24 =	simm.s32 $execute0_lowered;
	[smem:$0x3FD2] =	sst s23  }
0xa9: {  	s3 =	sshll.u32 s24, $0x1;
	_ =	strace $0x80000046;
	[dreg:$0x1] =	wrdreg $0xFFFFFFFF  }
0xaa: {  	s25 =	simm.s32 $_size_execute0_lowered;
	s1 =	sadd.s32 s1, s3;
	[dreg:$0x0] =	wrdreg $0x0  }
0xab: {  	s3 =	sshll.u32 s25, $0x1;
	[dreg:$0x2] =	wrdreg s1  }
0xac: {  	[dreg:$0x3] =	wrdreg s3  }
0xad: {  	[dreg:$0x4] =	wrdreg $0xC0  }
0xae: {  	_ =	task [dreg:s5], $0x5FFFF  }
0xaf: {  	[dreg:$0x1] =	wrdreg $0xFFFFFFFF  }
0xb0: {  	[dreg:$0x0] =	wrdreg $0x60  }
0xb1: {  	[dreg:$0x2] =	wrdreg s22  }
0xb2: {  	[dreg:$0x3] =	wrdreg s14  }
0xb3: {  	[dreg:$0x4] =	wrdreg $0x4A500  }
0xb4: {  	[dreg:$0x5] =	wrdreg $0x9  }
0xb5: {  	_ =	task.clear_ibuf [dreg:s5], $0x6FFFF;
	_ =	strace $0x90000046  }
0xb6: {  	s26 =	simm.s32 $0x9;
	_ =	strace $0x80000048  }
0xb7: {  	_ =	swait.ge [sflag:s26], $0x1  }
0xb8: {  	[sflag:s26] =	ssyncadd.s32 $0xFFFFFFFF  }
0xb9: {  	_ =	strace $0x90000048  }
0xba: {  	_ =	sfence  }
0xbb: {  	s28 =	sld [smem:$0x0];
	_ =	sdelay $0x1  }
0xbc: {  	s29 =	srdreg.scid  }
0xbd: {  	s30 =	sshll.u32 s29, $0xD;
	s31 =	sshrl.u32 s29, $0x2  }
0xbe: {  	s2 =	sand.u32 $0x4000, s30;
	s1 =	sand.u32 $0x1, s29;
	s0 =	sadd.s32 s31, s28  }
0xbf: {  	s1 =	sor.u32 s2, s1;
	s0 =	sshll.u32 s0, $0x11  }
0xc0: {  	s0 =	sor.u32 s0, s1  }
0xc1: {  	s0 =	sadd.s32 $0x8F2B, s0  }
0xc2: {  	[sflag:s0] =	ssyncadd.remote.s32 $0x1  }
0xc3: {  	_ =	sfence.sel $0xFFFF  }
0xc4: {  	[dreg:$0x0] =	wrdreg $0xFFFFFFFF;
	(pc) =	sbr.abs _section_cstart, $3  }
0xc5: {  	[dreg:$0x1] =	wrdreg $0xFFFFFFFF  }
0xc6: {  	_ =	task.clear_ibuf [dreg:s5], $0x2FFFF;
	_ =	strace $0x9FFFFFFF  }
0xc7: {  	(tm) =	ssettm $0x7FFFFFFF  }
tec
execute0_lowered:
.L_overlay_start_1:
0x0: {  	(tag) =	ssettag $0x1  }
0x1: {  	s0 =	rddreg [dreg:$0x0]  }
0x2: {  	s1 =	rddreg [dreg:$0x1]  }
0x3: {  	s2 =	rddreg [dreg:$0x2];
	s3 =	stileid.u32  }
0x4: {  	s4 =	rddreg [dreg:$0x3];
	s5 =	simm.s32 $0x0;
	s6 =	sshll.u32 s3, $0x7  }
0x5: {  	[smem:$0x7FF] =	sst s5;
	s6 =	sadd.s32 s6, s0  }
0x6: {  	p0 =	sne.s32 s3, $0x0;
	_ =	strace $0x80000047;
	s6 =	sadd.s32 $0xC00, s6  }
0x7: {  	[tilespmem:s5], [sflag:$0x1] =	stream.linear.gather [hbm4b:s6+s5], $0x400, $0x38;
	[tilespmem:$0x4AB8] =	vst v63  }
0x8: {  	s0 =	sadd.s32 $0xA00, s0;
	s7 =	simm.s32 @!p0 $0x4400;
	s6 =	simm.s32 @!p0 $0x0  }
0x9: {  	[tilespmem:s7], [sflag:$0x4] =	stream.linear.gather @!p0 [hbm4b:s0+s6], $0x650, $0x38;
	[tilespmem:$0x4AB8] =	vst v63  }
0xa: {  	s0 =	simm.s32 @!p0 $0x4  }
0xb: {  	_ =	swait.ge @!p0 [sflag:s0], $0x650  }
0xc: {  	[sflag:s0] =	ssyncset.done @!p0 $0x0  }
0xd: {  	[sflag:s0] =	ssyncadd.s32 @!p0 $0xFFFFF9B0  }
0xe: {  	[spmem:s2] =	stream.linear.scatter @!p0 [tilespmem:s7], [sflag:$0x4], $0x650, $0x38;
	[tilespmem:$0x4AB8] =	vst v63  }
0xf: {  	_ =	swait.ge @!p0 [sflag:s0], $0x650  }
0x10: {  	[sflag:s0] =	ssyncset.done @!p0 $0x0  }
0x11: {  	[sflag:s0] =	ssyncadd.s32 @!p0 $0xFFFFF9B0  }
0x12: {  	s28 =	simm.s32 $0x1;
	[bflag:$0x0] =	sbarrier.arrive $0xFFFF  }
0x13: {  	_ =	swait.ge [sflag:s28], $0x400  }
0x14: {  	[sflag:s28] =	ssyncset.done $0x0  }
0x15: {  	s29 =	simm.s32 $0x400;
	s30 =	simm.s32 $0x2;
	[sflag:s28] =	ssyncadd.s32 $0xFFFFFC00  }
0x16: {  	[tilespmem:s29], [sflag:$0x2] =	stream.indirect.gather [spmem:s2], $0x10, s5, s29, $0xb8;
	[tilespmem:$0x4AB8] =	vst v63  }
0x17: {  	_ =	swait.ge [sflag:s30], $0x4000  }
0x18: {  	s3 =	sshll.u32 s3, $0xB;
	[sflag:s30] =	ssyncset.done $0x0  }
0x19: {  	s31 =	simm.s32 $0x3;
	s1 =	sadd.s32 s1, s3;
	[sflag:s30] =	ssyncadd.s32 $0xFFFFC000  }
0x1a: {  	[hbm4b:s1+s5] =	stream.linear.scatter [tilespmem:s29], [sflag:$0x3], $0x4000, $0x38;
	[tilespmem:$0x4AB8] =	vst v63  }
0x1b: {  	_ =	swait.ge [sflag:s31], $0x4000  }
0x1c: {  	[sflag:s31] =	ssyncset.done $0x0  }
0x1d: {  	[sflag:s31] =	ssyncadd.s32 $0xFFFFC000  }
0x1e: {  	_ =	sfence.sel $0x180000  }
0x1f: {  	[bflag:$0x0] =	sbarrier.arrive $0xFFFF  }
0x20: {  	_ =	strace $0x90000047  }
0x21: {  	s0 =	sadd.s32 @!p0 $0x100000, s4;
	[bflag:$0x2] =	sbarrier.arrive $0xFFFF  }
0x22: {  	[sflag:s0] =	ssyncadd.tile.s32 @!p0 $0x1;
	_ =	shalt  }
.Lfunc_end2:
_tile_overlayer_lowered:
.L_overlay_start_2:
0x23: {  	(tag) =	ssettag $0x2  }
0x24: {  	s0 =	rddreg [dreg:$0x0];
	s2 =	stileid.u32  }
0x25: {  	s1 =	rddreg [dreg:$0x1];
	p0 =	sne.s32 s2, $0x0  }
0x26: {  	s3 =	rddreg [dreg:$0x2];
	[bflag:$0x3] =	sbarrier.arrive $0xFFFF;
	s2 =	simm.s32 @!p0 $0x1C04  }
0x27: {  	[timem:s3], [sflag:s2] =	dma.local @!p0 [hbm:s0], s1  }
0x28: {  	s0 =	simm.s32 @!p0 $0x4  }
0x29: {  	_ =	swait.ge @!p0 [sflag:s0], s1  }
0x2a: {  	s1 =	ssub.s32 @!p0 $0x0, s1;
	[sflag:s0] =	ssyncset.done @!p0 $0x0  }
0x2b: {  	[sflag:s0] =	ssyncadd.s32 @!p0 s1  }
0x2c: {  	[bflag:$0x3] =	sbarrier.arrive $0xFFFF  }
0x2d: {  	_ =	shalt  }

</sc_bundles>
